<compile_context>
chip_gen: v7x
topology: tpu7x:2x2x1
jax: 0.10.2.dev20260603
libtpu: 0.0.44.dev20260713+nightly
codegen_flags: <defaults>
</compile_context>

<pallas_src>
import jax
import jax.numpy as jnp
from jax import lax
from jax.experimental import pallas as pl
from jax.experimental.pallas import tpu as pltpu
from jax.experimental.pallas import tpu_sc as plsc

FULL_SHAPE = (100000, 128)
B = FULL_SHAPE[0] * FULL_SHAPE[1]
NUM_W = 1280000
NC = 2
NS = 16
NW = NC * NS
PER_W = B // NW
CH = 10000
SH = 1096
SS = CH - SH
NITER = PER_W // CH
NPAIR = NITER // 2
STAGE = NUM_W // NS


def _gather_body(bank_hbm, idx_hbm, out_hbm, bank_sh,
                 idxs0, idxh0, idxs1, idxh1,
                 rows0, rowh0, rows1, rowh1,
                 sem_i, sem_g, sem_h, sem_o):
    cid = lax.axis_index("c")
    sid = lax.axis_index("s")
    wid = sid * NC + cid
    base = wid * PER_W

    def issue_idx(off, i_s, i_h):
        pltpu.async_copy(idx_hbm.at[pl.ds(off, SS)], i_s, sem_i)
        pltpu.async_copy(idx_hbm.at[pl.ds(off + SS, SH)], i_h, sem_i)

    def wait_idx(off, i_s, i_h):
        pltpu.make_async_copy(idx_hbm.at[pl.ds(off, SS)], i_s, sem_i).wait()
        pltpu.make_async_copy(idx_hbm.at[pl.ds(off + SS, SH)], i_h,
                              sem_i).wait()

    def issue_gather(i_s, i_h, r_s, r_h):
        pltpu.async_copy(bank_sh.at[i_s], r_s, sem_g)
        pltpu.async_copy(bank_hbm.at[i_h], r_h, sem_h)

    def wait_gather(i_s, i_h, r_s, r_h):
        pltpu.make_async_copy(bank_sh.at[i_s], r_s, sem_g).wait()
        pltpu.make_async_copy(bank_hbm.at[i_h], r_h, sem_h).wait()

    def issue_store(off, r_s, r_h):
        pltpu.async_copy(r_s, out_hbm.at[pl.ds(off, SS)], sem_o)
        pltpu.async_copy(r_h, out_hbm.at[pl.ds(off + SS, SH)], sem_o)

    def wait_store(off, r_s, r_h):
        pltpu.make_async_copy(r_s, out_hbm.at[pl.ds(off, SS)], sem_o).wait()
        pltpu.make_async_copy(r_h, out_hbm.at[pl.ds(off + SS, SH)],
                              sem_o).wait()

    issue_idx(base, idxs0, idxh0)
    issue_idx(base + CH, idxs1, idxh1)
    pltpu.sync_copy(bank_hbm.at[pl.ds(sid * STAGE, STAGE)],
                    bank_sh.at[pl.ds(sid * STAGE, STAGE)])
    plsc.subcore_barrier()
    wait_idx(base, idxs0, idxh0)
    issue_gather(idxs0, idxh0, rows0, rowh0)

    def step(j, carry):
        off_a = base + (2 * j) * CH
        off_b = off_a + CH

        wait_idx(off_b, idxs1, idxh1)

        @pl.when(j >= 1)
        def _():
            wait_store(off_a, rows1, rowh1)
        issue_gather(idxs1, idxh1, rows1, rowh1)
        wait_gather(idxs0, idxh0, rows0, rowh0)
        issue_store(off_a, rows0, rowh0)

        @pl.when(j + 1 < NPAIR)
        def _():
            issue_idx(off_b + CH, idxs0, idxh0)

        @pl.when(j + 1 < NPAIR)
        def _():
            wait_idx(off_b + CH, idxs0, idxh0)
            wait_store(off_a, rows0, rowh0)
            issue_gather(idxs0, idxh0, rows0, rowh0)
        wait_gather(idxs1, idxh1, rows1, rowh1)
        issue_store(off_b, rows1, rowh1)

        @pl.when(j + 1 < NPAIR)
        def _():
            issue_idx(off_b + 2 * CH, idxs1, idxh1)
        return carry

    lax.fori_loop(0, NPAIR, step, 0)
    wait_store(base, rows0, rowh0)
    wait_store(base, rows1, rowh1)


@jax.jit
def kernel(bank, weight_alloc):
    idx = weight_alloc.reshape(B).astype(jnp.int32)
    call = pl.kernel(
        _gather_body,
        out_type=jax.ShapeDtypeStruct((B,), jnp.float32),
        mesh=plsc.VectorSubcoreMesh(core_axis_name="c", subcore_axis_name="s"),
        scratch_types=[
            pltpu.VMEM_SHARED((NUM_W,), jnp.float32),
            pltpu.VMEM((SS,), jnp.int32),
            pltpu.VMEM((SH,), jnp.int32),
            pltpu.VMEM((SS,), jnp.int32),
            pltpu.VMEM((SH,), jnp.int32),
            pltpu.VMEM((SS,), jnp.float32),
            pltpu.VMEM((SH,), jnp.float32),
            pltpu.VMEM((SS,), jnp.float32),
            pltpu.VMEM((SH,), jnp.float32),
            pltpu.SemaphoreType.DMA,
            pltpu.SemaphoreType.DMA,
            pltpu.SemaphoreType.DMA,
            pltpu.SemaphoreType.DMA,
        ],
    )
    out = call(bank, idx)
    return out.reshape(FULL_SHAPE)

# --- scband reference (transcript-rebuilt; emitter-appended) ---
"""Pipeline reference for scband-tied-tensor-10110353014930 (READ-ONLY COPY).

The authoritative reference and input builder live on the scoring server;
editing this copy changes nothing except your own understanding.
"""

import jax, jax.numpy as jnp
import numpy as np

FULL = (100000, 128)
INITIAL_SPARSITY = 0.9

def _build_weight_alloc(n_alloc, num_weights):
    # uniform_coverage: tile arange(num_weights) across n_alloc slots
    reps = np.zeros(n_alloc, dtype=np.int64)
    pe = np.arange(num_weights, dtype=np.int64)
    for i in range(0, n_alloc, num_weights):
        reps[i:i + num_weights] = pe[:min(num_weights, n_alloc - i)]
    rng = np.random.RandomState(0)
    indices = np.arange(n_alloc)
    rng.shuffle(indices)
    wa = np.zeros(n_alloc, dtype=np.int64)
    wa[indices] = reps
    return wa

def setup_inputs(seed: int = 0) -> dict:
    n_alloc = FULL[0] * FULL[1]  # ndim==2, sub_kernel_granularity False -> prod(full[:2]) == prod(full)
    num_weights = round((1.0 - INITIAL_SPARSITY) * n_alloc)  # 1,280,000 unique weights
    wa = _build_weight_alloc(n_alloc, num_weights)
    key = jax.random.key(seed)
    stdv = 1.0 / np.sqrt(float(FULL[1]))  # 1/sqrt(prod(full[1:]))
    bank = jax.random.uniform(key, (num_weights,), minval=-stdv, maxval=stdv, dtype=jnp.float32)
    bank = bank.at[0].set(0.0)
    return {"bank": bank, "weight_alloc": jnp.asarray(wa, dtype=jnp.int64)}

def reference(bank, weight_alloc):
    # TiedTensor.forward: self.bank[self.weight_alloc].view(self.full_tensor_size)
    return jnp.take(bank, weight_alloc, axis=0).reshape(FULL)

if __name__ == "__main__":
    import jax
    _d = setup_inputs()
    print(jax.jit(kernel)(*tuple(_d.values())))

</pallas_src>

<mosaic_0001>
#map = affine_map<(d0, d1) -> (0)>
module attributes {stable_mosaic.version = 14 : i64} {
  func.func @_gather_body(%arg0: i32, %arg1: i32, %arg2: memref<1280000xf32, #tpu.memory_space<hbm>>, %arg3: memref<12800000xi32, #tpu.memory_space<hbm>>, %arg4: memref<12800000xf32, #tpu.memory_space<hbm>>, %arg5: memref<1280000xf32, #tpu.memory_space<vmem_shared>>, %arg6: memref<8904xi32, #tpu.memory_space<vmem>>, %arg7: memref<1096xi32, #tpu.memory_space<vmem>>, %arg8: memref<8904xi32, #tpu.memory_space<vmem>>, %arg9: memref<1096xi32, #tpu.memory_space<vmem>>, %arg10: memref<8904xf32, #tpu.memory_space<vmem>>, %arg11: memref<1096xf32, #tpu.memory_space<vmem>>, %arg12: memref<8904xf32, #tpu.memory_space<vmem>>, %arg13: memref<1096xf32, #tpu.memory_space<vmem>>, %arg14: memref<!tpu.dma_semaphore, #tpu.memory_space<semaphore_mem>>, %arg15: memref<!tpu.dma_semaphore, #tpu.memory_space<semaphore_mem>>, %arg16: memref<!tpu.dma_semaphore, #tpu.memory_space<semaphore_mem>>, %arg17: memref<!tpu.dma_semaphore, #tpu.memory_space<semaphore_mem>>) attributes {dimension_semantics = [#tpu.dimension_semantics<core_parallel>, #tpu.dimension_semantics<subcore_parallel>], iteration_bounds = array<i64: 2, 16>, scalar_prefetch = 0 : i64, scratch_operands = 13 : i64, tpu.core_type = #tpu.core_type<sc_vector_subcore>, window_params = [{transform_indices = #map}, {transform_indices = #map}, {transform_indices = #map}]} {
    %mul3A = arith.constant 2 : i32
    %mul3A_0 = arith.muli %arg1, %mul3A : i32
    %add3A = arith.addi %mul3A_0, %arg0 : i32
    %mul3A_1 = arith.constant 400000 : i32
    %mul3A_2 = arith.muli %add3A, %mul3A_1 : i32
    %dma_start3A = tpu.memref_slice %arg3[%mul3A_2] : memref<12800000xi32, #tpu.memory_space<hbm>> -> memref<8904xi32, #tpu.memory_space<hbm>>
    %dma_start3A_3 = tpu.memref_slice %arg3[%mul3A_2] : memref<12800000xi32, #tpu.memory_space<hbm>> -> memref<8904xi32, #tpu.memory_space<hbm>>
    tpu.enqueue_dma source(%dma_start3A_3 : memref<8904xi32, #tpu.memory_space<hbm>>) target(%arg6 : memref<8904xi32, #tpu.memory_space<vmem>>) target_semaphore(%arg14 : memref<!tpu.dma_semaphore, #tpu.memory_space<semaphore_mem>>)
    %add3A_4 = arith.constant 8904 : i32
    %add3A_5 = arith.addi %mul3A_2, %add3A_4 : i32
    %dma_start3A_6 = tpu.memref_slice %arg3[%add3A_5] : memref<12800000xi32, #tpu.memory_space<hbm>> -> memref<1096xi32, #tpu.memory_space<hbm>>
    %dma_start3A_7 = tpu.memref_slice %arg3[%add3A_5] : memref<12800000xi32, #tpu.memory_space<hbm>> -> memref<1096xi32, #tpu.memory_space<hbm>>
    tpu.enqueue_dma source(%dma_start3A_7 : memref<1096xi32, #tpu.memory_space<hbm>>) target(%arg7 : memref<1096xi32, #tpu.memory_space<vmem>>) target_semaphore(%arg14 : memref<!tpu.dma_semaphore, #tpu.memory_space<semaphore_mem>>)
    %add3A_8 = arith.constant 10000 : i32
    %add3A_9 = arith.addi %mul3A_2, %add3A_8 : i32
    %dma_start3A_10 = tpu.memref_slice %arg3[%add3A_9] : memref<12800000xi32, #tpu.memory_space<hbm>> -> memref<8904xi32, #tpu.memory_space<hbm>>
    %dma_start3A_11 = tpu.memref_slice %arg3[%add3A_9] : memref<12800000xi32, #tpu.memory_space<hbm>> -> memref<8904xi32, #tpu.memory_space<hbm>>
    tpu.enqueue_dma source(%dma_start3A_11 : memref<8904xi32, #tpu.memory_space<hbm>>) target(%arg8 : memref<8904xi32, #tpu.memory_space<vmem>>) target_semaphore(%arg14 : memref<!tpu.dma_semaphore, #tpu.memory_space<semaphore_mem>>)
    %add3A_12 = arith.constant 8904 : i32
    %add3A_13 = arith.addi %add3A_9, %add3A_12 : i32
    %dma_start3A_14 = tpu.memref_slice %arg3[%add3A_13] : memref<12800000xi32, #tpu.memory_space<hbm>> -> memref<1096xi32, #tpu.memory_space<hbm>>
    %dma_start3A_15 = tpu.memref_slice %arg3[%add3A_13] : memref<12800000xi32, #tpu.memory_space<hbm>> -> memref<1096xi32, #tpu.memory_space<hbm>>
    tpu.enqueue_dma source(%dma_start3A_15 : memref<1096xi32, #tpu.memory_space<hbm>>) target(%arg9 : memref<1096xi32, #tpu.memory_space<vmem>>) target_semaphore(%arg14 : memref<!tpu.dma_semaphore, #tpu.memory_space<semaphore_mem>>)
    %mul3A_16 = arith.constant 80000 : i32
    %mul3A_17 = arith.muli %arg1, %mul3A_16 : i32
    %mul3A_18 = arith.constant 80000 : i32
    %mul3A_19 = arith.muli %arg1, %mul3A_18 : i32
    "tpu.region"() ({
      %run_scoped3A = tpu.sem_alloc : memref<!tpu.dma_semaphore, #tpu.memory_space<semaphore_mem>>
      %dma_start3A_46 = tpu.memref_slice %arg5[%mul3A_19] : memref<1280000xf32, #tpu.memory_space<vmem_shared>> -> memref<80000xf32, #tpu.memory_space<vmem_shared>>
      %dma_start3A_47 = tpu.memref_slice %arg2[%mul3A_17] : memref<1280000xf32, #tpu.memory_space<hbm>> -> memref<80000xf32, #tpu.memory_space<hbm>>
      tpu.enqueue_dma source(%dma_start3A_47 : memref<80000xf32, #tpu.memory_space<hbm>>) target(%dma_start3A_46 : memref<80000xf32, #tpu.memory_space<vmem_shared>>) target_semaphore(%run_scoped3A : memref<!tpu.dma_semaphore, #tpu.memory_space<semaphore_mem>>)
      %dma_wait3A_48 = tpu.memref_slice %arg5[%mul3A_19] : memref<1280000xf32, #tpu.memory_space<vmem_shared>> -> memref<80000xf32, #tpu.memory_space<vmem_shared>>
      %dma_wait3A_49 = tpu.memref_slice %arg2[%mul3A_17] : memref<1280000xf32, #tpu.memory_space<hbm>> -> memref<80000xf32, #tpu.memory_space<hbm>>
      tpu.wait_dma2 semaphore(%run_scoped3A : memref<!tpu.dma_semaphore, #tpu.memory_space<semaphore_mem>>) src(%dma_wait3A_49 : memref<80000xf32, #tpu.memory_space<hbm>>) dst(%dma_wait3A_48 : memref<80000xf32, #tpu.memory_space<vmem_shared>>)
      tpu.yield
    }) : () -> ()
    %barrier3A = arith.constant 0 : index
    tpu.barrier barrier_id(%barrier3A)
    %dma_wait3A = tpu.memref_slice %arg3[%mul3A_2] : memref<12800000xi32, #tpu.memory_space<hbm>> -> memref<8904xi32, #tpu.memory_space<hbm>>
    %dma_wait3A_20 = tpu.memref_slice %arg3[%mul3A_2] : memref<12800000xi32, #tpu.memory_space<hbm>> -> memref<8904xi32, #tpu.memory_space<hbm>>
    tpu.wait_dma2 semaphore(%arg14 : memref<!tpu.dma_semaphore, #tpu.memory_space<semaphore_mem>>) src(%dma_wait3A_20 : memref<8904xi32, #tpu.memory_space<hbm>>) dst(%arg6 : memref<8904xi32, #tpu.memory_space<vmem>>)
    %add3A_21 = arith.constant 8904 : i32
    %add3A_22 = arith.addi %mul3A_2, %add3A_21 : i32
    %dma_wait3A_23 = tpu.memref_slice %arg3[%add3A_22] : memref<12800000xi32, #tpu.memory_space<hbm>> -> memref<1096xi32, #tpu.memory_space<hbm>>
    %dma_wait3A_24 = tpu.memref_slice %arg3[%add3A_22] : memref<12800000xi32, #tpu.memory_space<hbm>> -> memref<1096xi32, #tpu.memory_space<hbm>>
    tpu.wait_dma2 semaphore(%arg14 : memref<!tpu.dma_semaphore, #tpu.memory_space<semaphore_mem>>) src(%dma_wait3A_24 : memref<1096xi32, #tpu.memory_space<hbm>>) dst(%arg7 : memref<1096xi32, #tpu.memory_space<vmem>>)
    %dma_start3A_25 = arith.constant 0 : i32
    %dma_start3A_26 = tpu.memref_slice %arg5[%dma_start3A_25] : memref<1280000xf32, #tpu.memory_space<vmem_shared>> -> memref<1280000xf32, #tpu.memory_space<vmem_shared>>
    tpu.enqueue_indirect_dma source(%dma_start3A_26 : memref<1280000xf32, #tpu.memory_space<vmem_shared>>) target(%arg10 : memref<8904xf32, #tpu.memory_space<vmem>>) offsets(%arg6 : memref<8904xi32, #tpu.memory_space<vmem>>) semaphore(%arg15 : memref<!tpu.dma_semaphore, #tpu.memory_space<semaphore_mem>>)
    %dma_start3A_27 = arith.constant 0 : i32
    %dma_start3A_28 = tpu.memref_slice %arg2[%dma_start3A_27] : memref<1280000xf32, #tpu.memory_space<hbm>> -> memref<1280000xf32, #tpu.memory_space<hbm>>
    tpu.enqueue_indirect_dma source(%dma_start3A_28 : memref<1280000xf32, #tpu.memory_space<hbm>>) target(%arg11 : memref<1096xf32, #tpu.memory_space<vmem>>) offsets(%arg7 : memref<1096xi32, #tpu.memory_space<vmem>>) semaphore(%arg16 : memref<!tpu.dma_semaphore, #tpu.memory_space<semaphore_mem>>)
    %scan3A = arith.constant 0 : i32
    %scan3A_29 = arith.constant 0 : i32
    %scan3A_30 = arith.constant 20 : i32
    %scan3A_31 = arith.addi %scan3A_29, %scan3A_30 : i32
    %scan3A_32 = arith.constant 1 : i32
    scf.for %scan3A_46 = %scan3A_29 to %scan3A_31 step %scan3A_32  : i32 {
      %mul3A_47 = arith.constant 2 : i32
      %mul3A_48 = arith.muli %mul3A_47, %scan3A_46 : i32
      %mul3A_49 = arith.constant 10000 : i32
      %mul3A_50 = arith.muli %mul3A_48, %mul3A_49 : i32
      %add3A_51 = arith.addi %mul3A_2, %mul3A_50 : i32
      %add3A_52 = arith.constant 10000 : i32
      %add3A_53 = arith.addi %add3A_51, %add3A_52 : i32
      %dma_wait3A_54 = tpu.memref_slice %arg3[%add3A_53] : memref<12800000xi32, #tpu.memory_space<hbm>> -> memref<8904xi32, #tpu.memory_space<hbm>>
      %dma_wait3A_55 = tpu.memref_slice %arg3[%add3A_53] : memref<12800000xi32, #tpu.memory_space<hbm>> -> memref<8904xi32, #tpu.memory_space<hbm>>
      tpu.wait_dma2 semaphore(%arg14 : memref<!tpu.dma_semaphore, #tpu.memory_space<semaphore_mem>>) src(%dma_wait3A_55 : memref<8904xi32, #tpu.memory_space<hbm>>) dst(%arg8 : memref<8904xi32, #tpu.memory_space<vmem>>)
      %add3A_56 = arith.constant 8904 : i32
      %add3A_57 = arith.addi %add3A_53, %add3A_56 : i32
      %dma_wait3A_58 = tpu.memref_slice %arg3[%add3A_57] : memref<12800000xi32, #tpu.memory_space<hbm>> -> memref<1096xi32, #tpu.memory_space<hbm>>
      %dma_wait3A_59 = tpu.memref_slice %arg3[%add3A_57] : memref<12800000xi32, #tpu.memory_space<hbm>> -> memref<1096xi32, #tpu.memory_space<hbm>>
      tpu.wait_dma2 semaphore(%arg14 : memref<!tpu.dma_semaphore, #tpu.memory_space<semaphore_mem>>) src(%dma_wait3A_59 : memref<1096xi32, #tpu.memory_space<hbm>>) dst(%arg9 : memref<1096xi32, #tpu.memory_space<vmem>>)
      %ge3A = arith.constant 1 : i32
      %ge3A_60 = arith.cmpi sge, %scan3A_46, %ge3A : i32
      %convert_element_type3A = arith.extui %ge3A_60 : i1 to i32
      %cond3A = arith.constant 0 : i32
      %cond3A_61 = arith.cmpi ne, %convert_element_type3A, %cond3A : i32
      scf.if %cond3A_61 {
        %dma_wait3A_106 = tpu.memref_slice %arg4[%add3A_51] : memref<12800000xf32, #tpu.memory_space<hbm>> -> memref<8904xf32, #tpu.memory_space<hbm>>
        %dma_wait3A_107 = tpu.memref_slice %arg4[%add3A_51] : memref<12800000xf32, #tpu.memory_space<hbm>> -> memref<8904xf32, #tpu.memory_space<hbm>>
        tpu.wait_dma2 semaphore(%arg17 : memref<!tpu.dma_semaphore, #tpu.memory_space<semaphore_mem>>) src(%arg12 : memref<8904xf32, #tpu.memory_space<vmem>>) dst(%dma_wait3A_107 : memref<8904xf32, #tpu.memory_space<hbm>>)
        %add3A_108 = arith.constant 8904 : i32
        %add3A_109 = arith.addi %add3A_51, %add3A_108 : i32
        %dma_wait3A_110 = tpu.memref_slice %arg4[%add3A_109] : memref<12800000xf32, #tpu.memory_space<hbm>> -> memref<1096xf32, #tpu.memory_space<hbm>>
        %dma_wait3A_111 = tpu.memref_slice %arg4[%add3A_109] : memref<12800000xf32, #tpu.memory_space<hbm>> -> memref<1096xf32, #tpu.memory_space<hbm>>
        tpu.wait_dma2 semaphore(%arg17 : memref<!tpu.dma_semaphore, #tpu.memory_space<semaphore_mem>>) src(%arg13 : memref<1096xf32, #tpu.memory_space<vmem>>) dst(%dma_wait3A_111 : memref<1096xf32, #tpu.memory_space<hbm>>)
      } else {
      }
      %dma_start3A_62 = arith.constant 0 : i32
      %dma_start3A_63 = tpu.memref_slice %arg5[%dma_start3A_62] : memref<1280000xf32, #tpu.memory_space<vmem_shared>> -> memref<1280000xf32, #tpu.memory_space<vmem_shared>>
      tpu.enqueue_indirect_dma source(%dma_start3A_63 : memref<1280000xf32, #tpu.memory_space<vmem_shared>>) target(%arg12 : memref<8904xf32, #tpu.memory_space<vmem>>) offsets(%arg8 : memref<8904xi32, #tpu.memory_space<vmem>>) semaphore(%arg15 : memref<!tpu.dma_semaphore, #tpu.memory_space<semaphore_mem>>)
      %dma_start3A_64 = arith.constant 0 : i32
      %dma_start3A_65 = tpu.memref_slice %arg2[%dma_start3A_64] : memref<1280000xf32, #tpu.memory_space<hbm>> -> memref<1280000xf32, #tpu.memory_space<hbm>>
      tpu.enqueue_indirect_dma source(%dma_start3A_65 : memref<1280000xf32, #tpu.memory_space<hbm>>) target(%arg13 : memref<1096xf32, #tpu.memory_space<vmem>>) offsets(%arg9 : memref<1096xi32, #tpu.memory_space<vmem>>) semaphore(%arg16 : memref<!tpu.dma_semaphore, #tpu.memory_space<semaphore_mem>>)
      %dma_wait3A_66 = arith.constant 0 : i32
      %dma_wait3A_67 = tpu.memref_slice %arg5[%dma_wait3A_66] : memref<1280000xf32, #tpu.memory_space<vmem_shared>> -> memref<1280000xf32, #tpu.memory_space<vmem_shared>>
      tpu.wait_indirect_dma semaphore(%arg15 : memref<!tpu.dma_semaphore, #tpu.memory_space<semaphore_mem>>) src(%dma_wait3A_67 : memref<1280000xf32, #tpu.memory_space<vmem_shared>>) dst(%arg10 : memref<8904xf32, #tpu.memory_space<vmem>>)
      %dma_wait3A_68 = arith.constant 0 : i32
      %dma_wait3A_69 = tpu.memref_slice %arg2[%dma_wait3A_68] : memref<1280000xf32, #tpu.memory_space<hbm>> -> memref<1280000xf32, #tpu.memory_space<hbm>>
      tpu.wait_indirect_dma semaphore(%arg16 : memref<!tpu.dma_semaphore, #tpu.memory_space<semaphore_mem>>) src(%dma_wait3A_69 : memref<1280000xf32, #tpu.memory_space<hbm>>) dst(%arg11 : memref<1096xf32, #tpu.memory_space<vmem>>)
      %dma_start3A_70 = tpu.memref_slice %arg4[%add3A_51] : memref<12800000xf32, #tpu.memory_space<hbm>> -> memref<8904xf32, #tpu.memory_space<hbm>>
      %dma_start3A_71 = tpu.memref_slice %arg4[%add3A_51] : memref<12800000xf32, #tpu.memory_space<hbm>> -> memref<8904xf32, #tpu.memory_space<hbm>>
      tpu.enqueue_dma source(%arg10 : memref<8904xf32, #tpu.memory_space<vmem>>) target(%dma_start3A_71 : memref<8904xf32, #tpu.memory_space<hbm>>) target_semaphore(%arg17 : memref<!tpu.dma_semaphore, #tpu.memory_space<semaphore_mem>>)
      %add3A_72 = arith.constant 8904 : i32
      %add3A_73 = arith.addi %add3A_51, %add3A_72 : i32
      %dma_start3A_74 = tpu.memref_slice %arg4[%add3A_73] : memref<12800000xf32, #tpu.memory_space<hbm>> -> memref<1096xf32, #tpu.memory_space<hbm>>
      %dma_start3A_75 = tpu.memref_slice %arg4[%add3A_73] : memref<12800000xf32, #tpu.memory_space<hbm>> -> memref<1096xf32, #tpu.memory_space<hbm>>
      tpu.enqueue_dma source(%arg11 : memref<1096xf32, #tpu.memory_space<vmem>>) target(%dma_start3A_75 : memref<1096xf32, #tpu.memory_space<hbm>>) target_semaphore(%arg17 : memref<!tpu.dma_semaphore, #tpu.memory_space<semaphore_mem>>)
      %add3A_76 = arith.constant 1 : i32
      %add3A_77 = arith.addi %scan3A_46, %add3A_76 : i32
      %lt3A = arith.constant 20 : i32
      %lt3A_78 = arith.cmpi slt, %add3A_77, %lt3A : i32
      %convert_element_type3A_79 = arith.extui %lt3A_78 : i1 to i32
      %cond3A_80 = arith.constant 0 : i32
      %cond3A_81 = arith.cmpi ne, %convert_element_type3A_79, %cond3A_80 : i32
      scf.if %cond3A_81 {
        %add3A_106 = arith.constant 10000 : i32
        %add3A_107 = arith.addi %add3A_53, %add3A_106 : i32
        %dma_start3A_108 = tpu.memref_slice %arg3[%add3A_107] : memref<12800000xi32, #tpu.memory_space<hbm>> -> memref<8904xi32, #tpu.memory_space<hbm>>
        %dma_start3A_109 = tpu.memref_slice %arg3[%add3A_107] : memref<12800000xi32, #tpu.memory_space<hbm>> -> memref<8904xi32, #tpu.memory_space<hbm>>
        tpu.enqueue_dma source(%dma_start3A_109 : memref<8904xi32, #tpu.memory_space<hbm>>) target(%arg6 : memref<8904xi32, #tpu.memory_space<vmem>>) target_semaphore(%arg14 : memref<!tpu.dma_semaphore, #tpu.memory_space<semaphore_mem>>)
        %add3A_110 = arith.constant 8904 : i32
        %add3A_111 = arith.addi %add3A_107, %add3A_110 : i32
        %dma_start3A_112 = tpu.memref_slice %arg3[%add3A_111] : memref<12800000xi32, #tpu.memory_space<hbm>> -> memref<1096xi32, #tpu.memory_space<hbm>>
        %dma_start3A_113 = tpu.memref_slice %arg3[%add3A_111] : memref<12800000xi32, #tpu.memory_space<hbm>> -> memref<1096xi32, #tpu.memory_space<hbm>>
        tpu.enqueue_dma source(%dma_start3A_113 : memref<1096xi32, #tpu.memory_space<hbm>>) target(%arg7 : memref<1096xi32, #tpu.memory_space<vmem>>) target_semaphore(%arg14 : memref<!tpu.dma_semaphore, #tpu.memory_space<semaphore_mem>>)
      } else {
      }
      %add3A_82 = arith.constant 1 : i32
      %add3A_83 = arith.addi %scan3A_46, %add3A_82 : i32
      %lt3A_84 = arith.constant 20 : i32
      %lt3A_85 = arith.cmpi slt, %add3A_83, %lt3A_84 : i32
      %convert_element_type3A_86 = arith.extui %lt3A_85 : i1 to i32
      %cond3A_87 = arith.constant 0 : i32
      %cond3A_88 = arith.cmpi ne, %convert_element_type3A_86, %cond3A_87 : i32
      scf.if %cond3A_88 {
        %add3A_106 = arith.constant 10000 : i32
        %add3A_107 = arith.addi %add3A_53, %add3A_106 : i32
        %dma_wait3A_108 = tpu.memref_slice %arg3[%add3A_107] : memref<12800000xi32, #tpu.memory_space<hbm>> -> memref<8904xi32, #tpu.memory_space<hbm>>
        %dma_wait3A_109 = tpu.memref_slice %arg3[%add3A_107] : memref<12800000xi32, #tpu.memory_space<hbm>> -> memref<8904xi32, #tpu.memory_space<hbm>>
        tpu.wait_dma2 semaphore(%arg14 : memref<!tpu.dma_semaphore, #tpu.memory_space<semaphore_mem>>) src(%dma_wait3A_109 : memref<8904xi32, #tpu.memory_space<hbm>>) dst(%arg6 : memref<8904xi32, #tpu.memory_space<vmem>>)
        %add3A_110 = arith.constant 8904 : i32
        %add3A_111 = arith.addi %add3A_107, %add3A_110 : i32
        %dma_wait3A_112 = tpu.memref_slice %arg3[%add3A_111] : memref<12800000xi32, #tpu.memory_space<hbm>> -> memref<1096xi32, #tpu.memory_space<hbm>>
        %dma_wait3A_113 = tpu.memref_slice %arg3[%add3A_111] : memref<12800000xi32, #tpu.memory_space<hbm>> -> memref<1096xi32, #tpu.memory_space<hbm>>
        tpu.wait_dma2 semaphore(%arg14 : memref<!tpu.dma_semaphore, #tpu.memory_space<semaphore_mem>>) src(%dma_wait3A_113 : memref<1096xi32, #tpu.memory_space<hbm>>) dst(%arg7 : memref<1096xi32, #tpu.memory_space<vmem>>)
        %dma_wait3A_114 = tpu.memref_slice %arg4[%add3A_51] : memref<12800000xf32, #tpu.memory_space<hbm>> -> memref<8904xf32, #tpu.memory_space<hbm>>
        %dma_wait3A_115 = tpu.memref_slice %arg4[%add3A_51] : memref<12800000xf32, #tpu.memory_space<hbm>> -> memref<8904xf32, #tpu.memory_space<hbm>>
        tpu.wait_dma2 semaphore(%arg17 : memref<!tpu.dma_semaphore, #tpu.memory_space<semaphore_mem>>) src(%arg10 : memref<8904xf32, #tpu.memory_space<vmem>>) dst(%dma_wait3A_115 : memref<8904xf32, #tpu.memory_space<hbm>>)
        %add3A_116 = arith.constant 8904 : i32
        %add3A_117 = arith.addi %add3A_51, %add3A_116 : i32
        %dma_wait3A_118 = tpu.memref_slice %arg4[%add3A_117] : memref<12800000xf32, #tpu.memory_space<hbm>> -> memref<1096xf32, #tpu.memory_space<hbm>>
        %dma_wait3A_119 = tpu.memref_slice %arg4[%add3A_117] : memref<12800000xf32, #tpu.memory_space<hbm>> -> memref<1096xf32, #tpu.memory_space<hbm>>
        tpu.wait_dma2 semaphore(%arg17 : memref<!tpu.dma_semaphore, #tpu.memory_space<semaphore_mem>>) src(%arg11 : memref<1096xf32, #tpu.memory_space<vmem>>) dst(%dma_wait3A_119 : memref<1096xf32, #tpu.memory_space<hbm>>)
        %dma_start3A_120 = arith.constant 0 : i32
        %dma_start3A_121 = tpu.memref_slice %arg5[%dma_start3A_120] : memref<1280000xf32, #tpu.memory_space<vmem_shared>> -> memref<1280000xf32, #tpu.memory_space<vmem_shared>>
        tpu.enqueue_indirect_dma source(%dma_start3A_121 : memref<1280000xf32, #tpu.memory_space<vmem_shared>>) target(%arg10 : memref<8904xf32, #tpu.memory_space<vmem>>) offsets(%arg6 : memref<8904xi32, #tpu.memory_space<vmem>>) semaphore(%arg15 : memref<!tpu.dma_semaphore, #tpu.memory_space<semaphore_mem>>)
        %dma_start3A_122 = arith.constant 0 : i32
        %dma_start3A_123 = tpu.memref_slice %arg2[%dma_start3A_122] : memref<1280000xf32, #tpu.memory_space<hbm>> -> memref<1280000xf32, #tpu.memory_space<hbm>>
        tpu.enqueue_indirect_dma source(%dma_start3A_123 : memref<1280000xf32, #tpu.memory_space<hbm>>) target(%arg11 : memref<1096xf32, #tpu.memory_space<vmem>>) offsets(%arg7 : memref<1096xi32, #tpu.memory_space<vmem>>) semaphore(%arg16 : memref<!tpu.dma_semaphore, #tpu.memory_space<semaphore_mem>>)
      } else {
      }
      %dma_wait3A_89 = arith.constant 0 : i32
      %dma_wait3A_90 = tpu.memref_slice %arg5[%dma_wait3A_89] : memref<1280000xf32, #tpu.memory_space<vmem_shared>> -> memref<1280000xf32, #tpu.memory_space<vmem_shared>>
      tpu.wait_indirect_dma semaphore(%arg15 : memref<!tpu.dma_semaphore, #tpu.memory_space<semaphore_mem>>) src(%dma_wait3A_90 : memref<1280000xf32, #tpu.memory_space<vmem_shared>>) dst(%arg12 : memref<8904xf32, #tpu.memory_space<vmem>>)
      %dma_wait3A_91 = arith.constant 0 : i32
      %dma_wait3A_92 = tpu.memref_slice %arg2[%dma_wait3A_91] : memref<1280000xf32, #tpu.memory_space<hbm>> -> memref<1280000xf32, #tpu.memory_space<hbm>>
      tpu.wait_indirect_dma semaphore(%arg16 : memref<!tpu.dma_semaphore, #tpu.memory_space<semaphore_mem>>) src(%dma_wait3A_92 : memref<1280000xf32, #tpu.memory_space<hbm>>) dst(%arg13 : memref<1096xf32, #tpu.memory_space<vmem>>)
      %dma_start3A_93 = tpu.memref_slice %arg4[%add3A_53] : memref<12800000xf32, #tpu.memory_space<hbm>> -> memref<8904xf32, #tpu.memory_space<hbm>>
      %dma_start3A_94 = tpu.memref_slice %arg4[%add3A_53] : memref<12800000xf32, #tpu.memory_space<hbm>> -> memref<8904xf32, #tpu.memory_space<hbm>>
      tpu.enqueue_dma source(%arg12 : memref<8904xf32, #tpu.memory_space<vmem>>) target(%dma_start3A_94 : memref<8904xf32, #tpu.memory_space<hbm>>) target_semaphore(%arg17 : memref<!tpu.dma_semaphore, #tpu.memory_space<semaphore_mem>>)
      %add3A_95 = arith.constant 8904 : i32
      %add3A_96 = arith.addi %add3A_53, %add3A_95 : i32
      %dma_start3A_97 = tpu.memref_slice %arg4[%add3A_96] : memref<12800000xf32, #tpu.memory_space<hbm>> -> memref<1096xf32, #tpu.memory_space<hbm>>
      %dma_start3A_98 = tpu.memref_slice %arg4[%add3A_96] : memref<12800000xf32, #tpu.memory_space<hbm>> -> memref<1096xf32, #tpu.memory_space<hbm>>
      tpu.enqueue_dma source(%arg13 : memref<1096xf32, #tpu.memory_space<vmem>>) target(%dma_start3A_98 : memref<1096xf32, #tpu.memory_space<hbm>>) target_semaphore(%arg17 : memref<!tpu.dma_semaphore, #tpu.memory_space<semaphore_mem>>)
      %add3A_99 = arith.constant 1 : i32
      %add3A_100 = arith.addi %scan3A_46, %add3A_99 : i32
      %lt3A_101 = arith.constant 20 : i32
      %lt3A_102 = arith.cmpi slt, %add3A_100, %lt3A_101 : i32
      %convert_element_type3A_103 = arith.extui %lt3A_102 : i1 to i32
      %cond3A_104 = arith.constant 0 : i32
      %cond3A_105 = arith.cmpi ne, %convert_element_type3A_103, %cond3A_104 : i32
      scf.if %cond3A_105 {
        %add3A_106 = arith.constant 20000 : i32
        %add3A_107 = arith.addi %add3A_53, %add3A_106 : i32
        %dma_start3A_108 = tpu.memref_slice %arg3[%add3A_107] : memref<12800000xi32, #tpu.memory_space<hbm>> -> memref<8904xi32, #tpu.memory_space<hbm>>
        %dma_start3A_109 = tpu.memref_slice %arg3[%add3A_107] : memref<12800000xi32, #tpu.memory_space<hbm>> -> memref<8904xi32, #tpu.memory_space<hbm>>
        tpu.enqueue_dma source(%dma_start3A_109 : memref<8904xi32, #tpu.memory_space<hbm>>) target(%arg8 : memref<8904xi32, #tpu.memory_space<vmem>>) target_semaphore(%arg14 : memref<!tpu.dma_semaphore, #tpu.memory_space<semaphore_mem>>)
        %add3A_110 = arith.constant 8904 : i32
        %add3A_111 = arith.addi %add3A_107, %add3A_110 : i32
        %dma_start3A_112 = tpu.memref_slice %arg3[%add3A_111] : memref<12800000xi32, #tpu.memory_space<hbm>> -> memref<1096xi32, #tpu.memory_space<hbm>>
        %dma_start3A_113 = tpu.memref_slice %arg3[%add3A_111] : memref<12800000xi32, #tpu.memory_space<hbm>> -> memref<1096xi32, #tpu.memory_space<hbm>>
        tpu.enqueue_dma source(%dma_start3A_113 : memref<1096xi32, #tpu.memory_space<hbm>>) target(%arg9 : memref<1096xi32, #tpu.memory_space<vmem>>) target_semaphore(%arg14 : memref<!tpu.dma_semaphore, #tpu.memory_space<semaphore_mem>>)
      } else {
      }
    }
    %scan3A_33 = arith.constant 20 : i32
    %dma_wait3A_34 = tpu.memref_slice %arg4[%mul3A_2] : memref<12800000xf32, #tpu.memory_space<hbm>> -> memref<8904xf32, #tpu.memory_space<hbm>>
    %dma_wait3A_35 = tpu.memref_slice %arg4[%mul3A_2] : memref<12800000xf32, #tpu.memory_space<hbm>> -> memref<8904xf32, #tpu.memory_space<hbm>>
    tpu.wait_dma2 semaphore(%arg17 : memref<!tpu.dma_semaphore, #tpu.memory_space<semaphore_mem>>) src(%arg10 : memref<8904xf32, #tpu.memory_space<vmem>>) dst(%dma_wait3A_35 : memref<8904xf32, #tpu.memory_space<hbm>>)
    %add3A_36 = arith.constant 8904 : i32
    %add3A_37 = arith.addi %mul3A_2, %add3A_36 : i32
    %dma_wait3A_38 = tpu.memref_slice %arg4[%add3A_37] : memref<12800000xf32, #tpu.memory_space<hbm>> -> memref<1096xf32, #tpu.memory_space<hbm>>
    %dma_wait3A_39 = tpu.memref_slice %arg4[%add3A_37] : memref<12800000xf32, #tpu.memory_space<hbm>> -> memref<1096xf32, #tpu.memory_space<hbm>>
    tpu.wait_dma2 semaphore(%arg17 : memref<!tpu.dma_semaphore, #tpu.memory_space<semaphore_mem>>) src(%arg11 : memref<1096xf32, #tpu.memory_space<vmem>>) dst(%dma_wait3A_39 : memref<1096xf32, #tpu.memory_space<hbm>>)
    %dma_wait3A_40 = tpu.memref_slice %arg4[%mul3A_2] : memref<12800000xf32, #tpu.memory_space<hbm>> -> memref<8904xf32, #tpu.memory_space<hbm>>
    %dma_wait3A_41 = tpu.memref_slice %arg4[%mul3A_2] : memref<12800000xf32, #tpu.memory_space<hbm>> -> memref<8904xf32, #tpu.memory_space<hbm>>
    tpu.wait_dma2 semaphore(%arg17 : memref<!tpu.dma_semaphore, #tpu.memory_space<semaphore_mem>>) src(%arg12 : memref<8904xf32, #tpu.memory_space<vmem>>) dst(%dma_wait3A_41 : memref<8904xf32, #tpu.memory_space<hbm>>)
    %add3A_42 = arith.constant 8904 : i32
    %add3A_43 = arith.addi %mul3A_2, %add3A_42 : i32
    %dma_wait3A_44 = tpu.memref_slice %arg4[%add3A_43] : memref<12800000xf32, #tpu.memory_space<hbm>> -> memref<1096xf32, #tpu.memory_space<hbm>>
    %dma_wait3A_45 = tpu.memref_slice %arg4[%add3A_43] : memref<12800000xf32, #tpu.memory_space<hbm>> -> memref<1096xf32, #tpu.memory_space<hbm>>
    tpu.wait_dma2 semaphore(%arg17 : memref<!tpu.dma_semaphore, #tpu.memory_space<semaphore_mem>>) src(%arg13 : memref<1096xf32, #tpu.memory_space<vmem>>) dst(%dma_wait3A_45 : memref<1096xf32, #tpu.memory_space<hbm>>)
    return
  }
}

</mosaic_0001>

<sc_bundles>
// kernel: kernel.3.cloned.1.call-start
scs
__scs_entry_jumppad:
0x0: {  	(pc) =	sbr.rel $0x88, $3  }
0x1: {  	(tag) =	ssettag $0x0;
	lr =	simm.s32 $0x1  }
0x2: {  	[smem:$0x3F9F] =	sst lr;
	_ =	strace $0xD0000000  }
0x3: {  	_ = 	snop  }
0x4: {  	_ = 	snop  }
0x5: {  	_ = 	snop  }
0x6: {  	_ = 	snop  }
0x7: {  	_ = 	snop  }
__scs_overlays_trampoline_lowered:
0x8: {  	[smem:$0x3FAE] =	sst s0  }
0x9: {  	[smem:$0x3FAF] =	sst s1  }
0xa: {  	[smem:$0x3FB0] =	sst s2  }
0xb: {  	[smem:$0x3FB1] =	sst s3  }
0xc: {  	[smem:$0x3FB2] =	sst s4  }
0xd: {  	[smem:$0x3FB3] =	sst s5  }
0xe: {  	[smem:$0x3FB4] =	sst s6  }
0xf: {  	[smem:$0x3FB5] =	sst s7  }
0x10: {  	[smem:$0x3FB6] =	sst s8  }
0x11: {  	[smem:$0x3FB7] =	sst s9;
	s0 =	simm.s32 @!p0 $0x0  }
0x12: {  	s1 =	sld [smem:$0x3F9D];
	s0 =	simm.s32 @p0 $0x1  }
0x13: {  	[smem:$0x3FB8] =	sst s0;
	s0 =	simm.s32 @!p1 $0x0  }
0x14: {  	s2 =	sld [smem:$0x3F9C];
	s0 =	simm.s32 @p1 $0x1  }
0x15: {  	[smem:$0x3FB9] =	sst s0;
	s0 =	simm.s32 @!p2 $0x0  }
0x16: {  	s3 =	sld [smem:$0x3FDB];
	s0 =	simm.s32 @p2 $0x1  }
0x17: {  	s4 =	simm.s32 $0x1BF5;
	[smem:$0x3FBB] =	sst s0  }
0x18: {  	s0 =	sld [smem:$0x3F9E];
	_ =	swait.ge [sflag:s4], $0x0  }
0x19: {  	s7 =	sld [smem:$0x3F9F]  }
0x1a: {  	s8 =	sadd.s32 $0xFFFFE003, lr  }
0x1b: {  	s9 =	sadd.s32 $0xFFFFFEF7, lr;
	s5 =	simm.s32 $0xFFFFFFFF;
	p2 =	slt.u32 s8, $0xFFFFF086  }
0x1c: {  	p1 =	slt.u32 s9, $0xF7A;
	s5 =	simm.s32 @!p2 $0x0  }
0x1d: {  	s5 =	simm.s32 @p1 $0x1;
	p0 =	seq.s32 s7, s2  }
0x1e: {  	s7 =	smul.u32 @!p0 $0xF7A, s2;
	p2 =	seq.s32 @!p0 s5, $0x0  }
0x1f: {  	s9 =	smul.u32 $0xF7A, s1;
	s8 =	simm.s32 @!p0 $0x1BF5;
	p2 =	por !p2, p0  }
0x20: {  	[sflag:s8] =	ssyncset.s32 @!p0 $0xFFFFF086;
	s6 =	sadd.s32 @!p0 s3, s7;
	s7 =	simm.s32 @!p0 $0x108  }
0x21: {  	s3 =	sadd.s32 s3, s9;
	s6 =	sadd.s32 @!p0 $0x88, s6;
	s7 =	simm.s32 @p2 $0x1082  }
0x22: {  	[simem:s7], [sflag:s8] =	dma.local @!p0 [hbm:s6], $0xF7A  }
0x23: {  	s9 =	sor.u32 $0xD0000000, s2;
	s6 =	simm.s32 $0x108;
	_ =	swait.ge @!p0 [sflag:s8], $0x0  }
0x24: {  	s3 =	sadd.s32 $0x88, s3;
	s6 =	simm.s32 @!p1 $0x1082;
	[sflag:s4] =	ssyncset.s32 $0xFFFFF086  }
0x25: {  	[simem:s6], [sflag:s4] =	dma.local [hbm:s3], $0xF7A  }
0x26: {  	[smem:$0x3F9F] =	sst s1;
	(tag) =	ssettag s2;
	_ =	strace s9  }
0x27: {  	s1 =	sld [smem:$0x3FAF]  }
0x28: {  	s2 =	sld [smem:$0x3FB0]  }
0x29: {  	s4 =	sld [smem:$0x3FB2]  }
0x2a: {  	p0 =	seq.s32 s5, $0x0;
	s5 =	sld [smem:$0x3FB3]  }
0x2b: {  	s6 =	sld [smem:$0x3FB4]  }
0x2c: {  	s7 =	sld [smem:$0x3FB5]  }
0x2d: {  	s3 =	simm.s32 $0x108;
	s8 =	sld [smem:$0x3FB6]  }
0x2e: {  	s3 =	simm.s32 @!p0 $0x1082;
	s9 =	sld [smem:$0x3FB7]  }
0x2f: {  	lr =	sadd.s32 s0, s3;
	s0 =	sld [smem:$0x3FAE]  }
0x30: {  	s3 =	sld [smem:$0x3FB1]  }
0x31: {  	[smem:$0x3FBA] =	sst s10  }
0x32: {  	s10 =	sld [smem:$0x3FB8];
	_ =	sdelay $0x3  }
0x33: {  	p0 =	seq.s32 s10, $0x1;
	s10 =	sld [smem:$0x3FBA];
	_ =	sdelay $0x3  }
0x34: {  	[smem:$0x3FBA] =	sst s10  }
0x35: {  	s10 =	sld [smem:$0x3FB9];
	_ =	sdelay $0x3  }
0x36: {  	p1 =	seq.s32 s10, $0x1;
	s10 =	sld [smem:$0x3FBA];
	_ =	sdelay $0x3  }
0x37: {  	[smem:$0x3FBA] =	sst s10  }
0x38: {  	s10 =	sld [smem:$0x3FBB]  }
0x39: {  	_ = 	snop;
	(pc) =	sbr.ind lr, $3  }
0x3a: {  	_ = 	snop  }
0x3b: {  	_ = 	snop  }
0x3c: {  	p2 =	seq.s32 s10, $0x1;
	s10 =	sld [smem:$0x3FBA]  }
0x3d: {  	_ =	shalt  }
0x3e: {  	_ =	shalt  }
0x3f: {  	_ =	shalt  }
0x40: {  	_ =	shalt  }
0x41: {  	_ =	shalt  }
0x42: {  	_ =	shalt  }
0x43: {  	_ =	shalt  }
0x44: {  	_ =	shalt  }
0x45: {  	_ =	shalt  }
0x46: {  	_ =	shalt  }
0x47: {  	_ =	shalt  }
0x48: {  	_ =	shalt  }
0x49: {  	_ =	shalt  }
0x4a: {  	_ =	shalt  }
0x4b: {  	_ =	shalt  }
0x4c: {  	_ =	shalt  }
0x4d: {  	_ =	shalt  }
0x4e: {  	_ =	shalt  }
0x4f: {  	_ =	shalt  }
0x50: {  	_ =	shalt  }
0x51: {  	_ =	shalt  }
0x52: {  	_ =	shalt  }
0x53: {  	_ =	shalt  }
0x54: {  	_ =	shalt  }
0x55: {  	_ =	shalt  }
0x56: {  	_ =	shalt  }
0x57: {  	_ =	shalt  }
0x58: {  	_ =	shalt  }
0x59: {  	_ =	shalt  }
0x5a: {  	_ =	shalt  }
0x5b: {  	_ =	shalt  }
0x5c: {  	_ =	shalt  }
0x5d: {  	_ =	shalt  }
0x5e: {  	_ =	shalt  }
0x5f: {  	_ =	shalt  }
0x60: {  	_ =	shalt  }
0x61: {  	_ =	shalt  }
0x62: {  	_ =	shalt  }
0x63: {  	_ =	shalt  }
0x64: {  	_ =	shalt  }
0x65: {  	_ =	shalt  }
0x66: {  	_ =	shalt  }
0x67: {  	_ =	shalt  }
0x68: {  	_ =	shalt  }
0x69: {  	_ =	shalt  }
0x6a: {  	_ =	shalt  }
0x6b: {  	_ =	shalt  }
0x6c: {  	_ =	shalt  }
0x6d: {  	_ =	shalt  }
0x6e: {  	_ =	shalt  }
0x6f: {  	_ =	shalt  }
0x70: {  	_ =	shalt  }
0x71: {  	_ =	shalt  }
0x72: {  	_ =	shalt  }
0x73: {  	_ =	shalt  }
0x74: {  	_ =	shalt  }
0x75: {  	_ =	shalt  }
0x76: {  	_ =	shalt  }
0x77: {  	_ =	shalt  }
0x78: {  	_ =	shalt  }
0x79: {  	_ =	shalt  }
0x7a: {  	_ =	shalt  }
0x7b: {  	_ =	shalt  }
0x7c: {  	_ =	shalt  }
0x7d: {  	_ =	shalt  }
0x7e: {  	_ =	shalt  }
0x7f: {  	_ =	shalt  }
0x80: {  	_ =	shalt  }
0x81: {  	_ =	shalt  }
0x82: {  	_ =	shalt  }
0x83: {  	_ =	shalt  }
0x84: {  	_ =	shalt  }
0x85: {  	_ =	shalt  }
0x86: {  	_ =	shalt  }
0x87: {  	_ =	shalt  }
.Lfunc_end0:
.L_simem_size_0:
called_computation_lowered:
.L_overlay_start_0:
0x88: {  	s2 =	sld [smem:$0x3FD9]  }
0x89: {  	s3 =	sld [smem:$0x3FFE];
	_ =	sdelay $0x1  }
0x8a: {  	s1 =	srdreg.scid  }
0x8b: {  	s0 =	sand.u32 $0x1, s1  }
0x8c: {  	s18 =	sshll.u32 s0, $0xA;
	s2 =	sadd.s32 s3, s2  }
0x8d: {  	s2 =	sadd.s32 s2, s18  }
0x8e: {  	[smem:$0x3FC6] =	sst s2  }
0x8f: {  	_ = 	snop  }
0x90: {  	s2 =	sld [smem:$0x3FC9]  }
0x91: {  	s19 =	sld [smem:$0x3FC8]  }
0x92: {  	s4 =	sld [smem:$0x3FD0];
	(tm) =	ssettm $0x1  }
0x93: {  	s5 =	sld [smem:$0x3FFB];
	_ =	sdelay $0x3  }
0x94: {  	_ =	strace s5  }
0x95: {  	s5 =	sld [smem:$0x3FFC];
	_ =	sdelay $0x3  }
0x96: {  	_ =	strace s5  }
0x97: {  	s5 =	sld [smem:$0x3FFD];
	_ =	sdelay $0x3  }
0x98: {  	_ =	strace s5  }
0x99: {  	_ =	strace $0x8FFFFFFF  }
0x9a: {  	s20 =	sld [smem:$0x3FDB];
	_ =	sdelay $0x1  }
0x9b: {  	s6 =	simm.s32 $_scs_section_size  }
0x9c: {  	s7 =	simm.s32 $_size__tile_overlayer_lowered;
	s8 =	simm.s32 $_tile_overlayer_lowered  }
0x9d: {  	s23 =	simm.s32 $0x1BFF;
	s22 =	sshll.u32 s8, $0x1;
	s5 =	sadd.s32 s6, s20  }
0x9e: {  	s9 =	simm.s32 $0x0;
	s21 =	sshll.u32 s7, $0x1;
	s7 =	sadd.s32 s22, s5  }
0x9f: {  	[timem:s9], [sflag:s23] =	dma.local [hbm:s7], s21  }
0xa0: {  	_ =	swait.ge [sflag:s23], s21  }
0xa1: {  	s6 =	ssub.s32 $0x0, s21;
	[sflag:s23] =	ssyncset.done $0x0  }
0xa2: {  	[sflag:s23] =	ssyncadd.s32 s6;
	_ =	sdelay $0x1  }
0xa3: {  	s24 =	simm.s32 $0x1B8B  }
0xa4: {  	_ =	swait.ge [sflag:s24], $0x1  }
0xa5: {  	[sflag:s24] =	ssyncset.done $0x0  }
0xa6: {  	s25 =	simm.s32 $0x1B8E;
	[sflag:s24] =	ssyncadd.s32 $0xFFFFFFFF  }
0xa7: {  	s26 =	simm.s32 $execute0_lowered;
	[smem:$0x3FD2] =	sst s25  }
0xa8: {  	s6 =	sshll.u32 s26, $0x1;
	_ =	strace $0x80000046;
	[dreg:$0x1] =	wrdreg $0xFFFFFFFF  }
0xa9: {  	s28 =	simm.s32 $_size_execute0_lowered;
	s5 =	sadd.s32 s5, s6;
	[dreg:$0x0] =	wrdreg $0x0  }
0xaa: {  	s6 =	sshll.u32 s28, $0x1;
	[dreg:$0x2] =	wrdreg s5  }
0xab: {  	[dreg:$0x3] =	wrdreg s6  }
0xac: {  	[dreg:$0x4] =	wrdreg $0xC0  }
0xad: {  	_ =	task [dreg:s9], $0x5FFFF  }
0xae: {  	[dreg:$0x1] =	wrdreg $0xFFFFFFFF  }
0xaf: {  	[dreg:$0x0] =	wrdreg $0x60  }
0xb0: {  	[dreg:$0x2] =	wrdreg s2  }
0xb1: {  	[dreg:$0x3] =	wrdreg s19  }
0xb2: {  	[dreg:$0x4] =	wrdreg s4  }
0xb3: {  	[dreg:$0x5] =	wrdreg $0x0  }
0xb4: {  	[dreg:$0x6] =	wrdreg $0x9  }
0xb5: {  	_ =	task.clear_ibuf [dreg:s9], $0x7FFFF;
	_ =	strace $0x90000046  }
0xb6: {  	s29 =	simm.s32 $0x9;
	_ =	strace $0x80000048  }
0xb7: {  	_ =	swait.ge [sflag:s29], $0x1  }
0xb8: {  	[sflag:s29] =	ssyncadd.s32 $0xFFFFFFFF  }
0xb9: {  	_ =	strace $0x90000048  }
0xba: {  	_ =	sfence  }
0xbb: {  	s30 =	sld [smem:$0x0];
	_ =	sdelay $0x2  }
0xbc: {  	s31 =	sshll.u32 s1, $0xD;
	s1 =	sshrl.u32 s1, $0x2  }
0xbd: {  	s3 =	sand.u32 $0x4000, s31;
	s1 =	sadd.s32 s1, s30  }
0xbe: {  	s0 =	sor.u32 s3, s0;
	s1 =	sshll.u32 s1, $0x11  }
0xbf: {  	s0 =	sor.u32 s1, s0  }
0xc0: {  	s0 =	sadd.s32 $0x8F2B, s0  }
0xc1: {  	[sflag:s0] =	ssyncadd.remote.s32 $0x1  }
0xc2: {  	_ =	sfence.sel $0xFFFF  }
0xc3: {  	[dreg:$0x0] =	wrdreg $0xFFFFFFFF;
	(pc) =	sbr.abs _section_cstart, $3  }
0xc4: {  	[dreg:$0x1] =	wrdreg $0xFFFFFFFF  }
0xc5: {  	_ =	task.clear_ibuf [dreg:s9], $0x2FFFF;
	_ =	strace $0x9FFFFFFF  }
0xc6: {  	(tm) =	ssettm $0x7FFFFFFF  }
0xc7: {  	_ =	shalt  }
tec
execute0_lowered:
.L_overlay_start_1:
0x0: {  	(tag) =	ssettag $0x1  }
0x1: {  	s1 =	rddreg [dreg:$0x0]  }
0x2: {  	s2 =	rddreg [dreg:$0x1]  }
0x3: {  	s0 =	srdreg.scid;
	s3 =	rddreg [dreg:$0x2]  }
0x4: {  	s11 =	stileid.u32;
	s4 =	rddreg [dreg:$0x3];
	s28 =	simm.s32 $0x1  }
0x5: {  	s29 =	simm.s32 $0x22C8;
	s30 =	simm.s32 $0x18780;
	s31 =	simm.s32 $0x448  }
0x6: {  	s0 =	sand.u32 $0x1, s0;
	s5 =	sshll.u32 s11, $0x1;
	s14 =	smul.u32 $0x13880, s11  }
0x7: {  	s10 =	smul.u32 $0xC3500, s11;
	s18 =	sshll.u32 s11, $0x6;
	s6 =	sor.u32 s0, s5  }
0x8: {  	s5 =	simm.s32 $0x0;
	s7 =	ssub.s32 $0x2, s0;
	s0 =	smul.u32 $0x61A80, s0  }
0x9: {  	s6 =	smul.u32 $0x61A80, s6;
	[smem:$0x7FF] =	sst s5;
	s8 =	sshrl.u32 s7, $0x1  }
0xa: {  	s17 =	sadd.s32 s14, s4;
	_ =	strace $0x80000047;
	s7 =	ssub.s32 s7, s8  }
0xb: {  	s8 =	sshrl.u32 s14, $0x3;
	s0 =	sadd.s32 s0, s10;
	s26 =	sshrl.u32 s17, $0x3  }
0xc: {  	s10 =	simm.s32 $0x0;
	s9 =	sshrl.u32 s6, $0x3;
	s15 =	sadd.s32 $0x22C8, s6  }
0xd: {  	s6 =	sadd.s32 $0x49D8, s6;
	s8 =	sadd.s32 s1, s8;
	s19 =	sshrl.u32 s0, $0x3  }
0xe: {  	s7 =	smax.u32 s7, $0x1;
	s20 =	sadd.s32 $0x97F8, s0;
	s21 =	sadd.s32 $0x7530, s0  }
0xf: {  	s22 =	sadd.s32 $0x70E8, s0;
	s23 =	sadd.s32 $0x4E20, s0;
	s24 =	sadd.s32 $0x22C8, s0  }
0x10: {  	s25 =	sadd.s32 $0x49D8, s0;
	s0 =	sadd.s32 $0x2710, s0;
	[dreg:$0xd] =	wrdreg s26  }
0x11: {  	s12 =	sadd.s32 s2, s9;
	s9 =	sshrl.u32 s15, $0x3;
	[dreg:$0x9] =	wrdreg s8  }
0x12: {  	s6 =	sshrl.u32 s6, $0x3;
	s8 =	sor.u32 $0x1C05, s18;
	[dreg:$0xb] =	wrdreg s7  }
0x13: {  	s13 =	sadd.s32 s19, s3;
	s7 =	sshrl.u32 s20, $0x3;
	[dreg:$0xc] =	wrdreg s23  }
0x14: {  	s0 =	sshrl.u32 s0, $0x3;
	s23 =	simm.s32 $0x16000;
	s9 =	sadd.s32 s2, s9  }
0x15: {  	[dreg:$0x5] =	wrdreg s12;
	s16 =	sadd.s32 $0x4E2, s12;
	s6 =	sadd.s32 s2, s6  }
0x16: {  	[dreg:$0xa] =	wrdreg s8;
	s8 =	sshrl.u32 s21, $0x3;
	s14 =	sadd.s32 s7, s2  }
0x17: {  	s7 =	sshrl.u32 s24, $0x3;
	s20 =	sadd.s32 s0, s3;
	[dreg:$0x6] =	wrdreg s9  }
0x18: {  	s24 =	simm.s32 $0x18300;
	s0 =	simm.s32 $0x1AF00;
	[dreg:$0x7] =	wrdreg s16  }
0x19: {  	[dreg:$0x8] =	wrdreg s6;
	s9 =	sshrl.u32 s22, $0x3;
	s15 =	sadd.s32 s8, s2  }
0x1a: {  	s8 =	sshrl.u32 s25, $0x3;
	s18 =	sadd.s32 s7, s3;
	s6 =	simm.s32 $0x1D200  }
0x1b: {  	s7 =	simm.s32 $0x2;
	s16 =	sadd.s32 s9, s2;
	s19 =	sadd.s32 s8, s3  }
0x1c: {  	s3 =	simm.s32 $0x1AA80;
	s8 =	simm.s32 $0x3;
	s9 =	simm.s32 $0x4  }
.LBB2_1:
0x1d: {  	s11 =	rddreg [dreg:$0x5]  }
0x1e: {  	s26 =	rddreg [dreg:$0x6]  }
0x1f: {  	s17 =	simm.s32 $0x13880;
	s12 =	rddreg [dreg:$0x7]  }
0x20: {  	[tilespmem:s17], [sflag:$0x1] =	stream.linear.gather [hbm4b:s11+s5], $0x22C8, $0x38;
	[tilespmem:$0x1D680] =	vst v63  }
0x21: {  	s21 =	simm.s32 $0x15B80;
	s22 =	rddreg [dreg:$0x8]  }
0x22: {  	[tilespmem:s21], [sflag:$0x1] =	stream.linear.gather [hbm4b:s26+s5], $0x448, $0x38;
	[tilespmem:$0x1D680] =	vst v63  }
0x23: {  	s25 =	rddreg [dreg:$0x9]  }
0x24: {  	[tilespmem:s23], [sflag:$0x1] =	stream.linear.gather [hbm4b:s12+s5], $0x22C8, $0x38;
	[tilespmem:$0x1D680] =	vst v63  }
0x25: {  	s12 =	rddreg [dreg:$0xa]  }
0x26: {  	[tilespmem:s24], [sflag:$0x1] =	stream.linear.gather [hbm4b:s22+s5], $0x448, $0x38;
	[tilespmem:$0x1D680] =	vst v63  }
0x27: {  	s26 =	simm.s32 $0x5;
	s22 =	rddreg [dreg:$0xd]  }
0x28: {  	[spmem:s22], [sflag:s12] =	dma.local [hbm:s25], $0x2710  }
0x29: {  	_ =	swait.ge [sflag:s26], $0x2710  }
0x2a: {  	[sflag:s26] =	ssyncset.done $0x0  }
0x2b: {  	[sflag:s26] =	ssyncadd.s32 $0xFFFFD8F0  }
0x2c: {  	[bflag:$0x0] =	sbarrier.arrive $0xFFFF  }
0x2d: {  	_ =	swait.ge [sflag:s28], $0x22C8  }
0x2e: {  	[sflag:s28] =	ssyncset.done $0x0  }
0x2f: {  	[sflag:s28] =	ssyncadd.s32 $0xFFFFDD38  }
0x30: {  	_ =	swait.ge [sflag:s28], $0x448  }
0x31: {  	[sflag:s28] =	ssyncset.done $0x0  }
0x32: {  	[sflag:s28] =	ssyncadd.s32 $0xFFFFFBB8  }
0x33: {  	[tilespmem:s30], [sflag:$0x2] =	stream.indirect.gather [spmem:s4], $0x1, s17, s29, $0xb8;
	[tilespmem:$0x1D680] =	vst v63  }
0x34: {  	s12 =	simm.s32 $0x0;
	s17 =	rddreg [dreg:$0xc]  }
0x35: {  	[tilespmem:s3], [sflag:$0x3] =	stream.indirect.gather [hbm4b:s1+s31], $0x1, s21, s31, $0xb8;
	[tilespmem:$0x1D680] =	vst v63  }
.LBB2_2:
0x36: {  	_ =	swait.ge [sflag:s28], $0x22C8  }
0x37: {  	[sflag:s28] =	ssyncset.done $0x0  }
0x38: {  	[sflag:s28] =	ssyncadd.s32 $0xFFFFDD38  }
0x39: {  	_ =	swait.ge [sflag:s28], $0x448  }
0x3a: {  	p0 =	seq.s32 s12, $0x0;
	[sflag:s28] =	ssyncset.done $0x0  }
0x3b: {  	s11 =	simm.s32 @!p0 $0x4;
	[sflag:s28] =	ssyncadd.s32 $0xFFFFFBB8  }
0x3c: {  	_ =	swait.ge @!p0 [sflag:s11], $0x22C8  }
0x3d: {  	[sflag:s11] =	ssyncset.done @!p0 $0x0  }
0x3e: {  	[sflag:s11] =	ssyncadd.s32 @!p0 $0xFFFFDD38  }
0x3f: {  	_ =	swait.ge @!p0 [sflag:s11], $0x448  }
0x40: {  	[sflag:s11] =	ssyncset.done @!p0 $0x0  }
0x41: {  	[sflag:s11] =	ssyncadd.s32 @!p0 $0xFFFFFBB8  }
0x42: {  	[tilespmem:s0], [sflag:$0x2] =	stream.indirect.gather [spmem:s4], $0x1, s23, s29, $0xb8;
	[tilespmem:$0x1D680] =	vst v63  }
0x43: {  	_ = 	snop  }
0x44: {  	[tilespmem:s6], [sflag:$0x3] =	stream.indirect.gather [hbm4b:s1+s31], $0x1, s24, s31, $0xb8;
	[tilespmem:$0x1D680] =	vst v63  }
0x45: {  	_ =	swait.ge [sflag:s7], $0x22C8  }
0x46: {  	[sflag:s7] =	ssyncset.done $0x0  }
0x47: {  	[sflag:s7] =	ssyncadd.s32 $0xFFFFDD38  }
0x48: {  	_ =	swait.ge [sflag:s8], $0x448  }
0x49: {  	[sflag:s8] =	ssyncset.done $0x0  }
0x4a: {  	s21 =	sadd.s32 s12, s13;
	p0 =	seq.s32 s12, $0xB98C;
	[sflag:s8] =	ssyncadd.s32 $0xFFFFFBB8  }
0x4b: {  	[hbm4b:s21+s5] =	stream.linear.scatter [tilespmem:s30], [sflag:$0x4], $0x22C8, $0x38;
	[tilespmem:$0x1D680] =	vst v63  }
0x4c: {  	s22 =	sadd.s32 s12, s18;
	s11 =	sshrl.u32 @!p0 s17, $0x3  }
0x4d: {  	[hbm4b:s22+s5] =	stream.linear.scatter [tilespmem:s3], [sflag:$0x4], $0x448, $0x38;
	[tilespmem:$0x1D680] =	vst v63  }
0x4e: {  	s11 =	sadd.s32 @!p0 s2, s11;
	s21 =	simm.s32 @!p0 $0x0;
	s22 =	simm.s32 @!p0 $0x13880  }
0x4f: {  	[tilespmem:s22], [sflag:$0x1] =	stream.linear.gather @!p0 [hbm4b:s11+s21], $0x22C8, $0x38;
	[tilespmem:$0x1D680] =	vst v63  }
0x50: {  	s25 =	simm.s32 @!p0 $0x15B80;
	s11 =	sadd.s32 @!p0 s12, s16  }
0x51: {  	[tilespmem:s25], [sflag:$0x1] =	stream.linear.gather @!p0 [hbm4b:s11+s21], $0x448, $0x38;
	[tilespmem:$0x1D680] =	vst v63  }
0x52: {  	s11 =	simm.s32 @!p0 $0x1  }
0x53: {  	_ =	swait.ge @!p0 [sflag:s11], $0x22C8  }
0x54: {  	[sflag:s11] =	ssyncset.done @!p0 $0x0  }
0x55: {  	[sflag:s11] =	ssyncadd.s32 @!p0 $0xFFFFDD38  }
0x56: {  	_ =	swait.ge @!p0 [sflag:s11], $0x448  }
0x57: {  	[sflag:s11] =	ssyncset.done @!p0 $0x0  }
0x58: {  	[sflag:s11] =	ssyncadd.s32 @!p0 $0xFFFFFBB8;
	s11 =	simm.s32 @!p0 $0x4  }
0x59: {  	_ =	swait.ge @!p0 [sflag:s11], $0x22C8  }
0x5a: {  	[sflag:s11] =	ssyncset.done @!p0 $0x0  }
0x5b: {  	[sflag:s11] =	ssyncadd.s32 @!p0 $0xFFFFDD38  }
0x5c: {  	_ =	swait.ge @!p0 [sflag:s11], $0x448  }
0x5d: {  	[sflag:s11] =	ssyncset.done @!p0 $0x0  }
0x5e: {  	s26 =	simm.s32 @!p0 $0x18780;
	[sflag:s11] =	ssyncadd.s32 @!p0 $0xFFFFFBB8;
	s11 =	simm.s32 @!p0 $0x22C8  }
0x5f: {  	[tilespmem:s26], [sflag:$0x2] =	stream.indirect.gather @!p0 [spmem:s4], $0x1, s22, s11, $0xb8;
	[tilespmem:$0x1D680] =	vst v63  }
0x60: {  	s11 =	simm.s32 @!p0 $0x448;
	s22 =	simm.s32 @!p0 $0x1AA80  }
0x61: {  	[tilespmem:s22], [sflag:$0x3] =	stream.indirect.gather @!p0 [hbm4b:s1+s11], $0x1, s25, s11, $0xb8;
	[tilespmem:$0x1D680] =	vst v63  }
0x62: {  	_ =	swait.ge [sflag:s7], $0x22C8  }
0x63: {  	[sflag:s7] =	ssyncset.done $0x0  }
0x64: {  	[sflag:s7] =	ssyncadd.s32 $0xFFFFDD38  }
0x65: {  	_ =	swait.ge [sflag:s8], $0x448  }
0x66: {  	[sflag:s8] =	ssyncset.done $0x0  }
0x67: {  	s25 =	sadd.s32 s12, s20;
	[sflag:s8] =	ssyncadd.s32 $0xFFFFFBB8  }
0x68: {  	[hbm4b:s25+s5] =	stream.linear.scatter [tilespmem:s0], [sflag:$0x4], $0x22C8, $0x38;
	[tilespmem:$0x1D680] =	vst v63  }
0x69: {  	s26 =	sadd.s32 s12, s19  }
0x6a: {  	[hbm4b:s26+s5] =	stream.linear.scatter [tilespmem:s6], [sflag:$0x4], $0x448, $0x38;
	[tilespmem:$0x1D680] =	vst v63  }
0x6b: {  	s11 =	sadd.s32 @!p0 s12, s15;
	s22 =	simm.s32 @!p0 $0x16000  }
0x6c: {  	[tilespmem:s22], [sflag:$0x1] =	stream.linear.gather @!p0 [hbm4b:s11+s21], $0x22C8, $0x38;
	[tilespmem:$0x1D680] =	vst v63  }
0x6d: {  	s11 =	sadd.s32 @!p0 s12, s14;
	s12 =	sadd.s32 @!p0 $0x9C4, s12  }
0x6e: {  	p1 =	sne.s32 @!p0 s12, $0xC350  }
0x6f: {  	p1 =	por p0, !p1  }
.Ltmp0:
0x70: {  	_ = 	snop;
	(pc) =	sbr.rel @!p1 .LBB2_2-.Ltmp0, $3  }
0x71: {  	_ =	sdelay $0x1  }
0x72: {  	s17 =	sadd.s32 @!p0 $0x4E20, s17;
	s22 =	simm.s32 @!p0 $0x18300  }
0x73: {  	[tilespmem:s22], [sflag:$0x1] =	stream.linear.gather @!p0 [hbm4b:s11+s21], $0x448, $0x38;
	[tilespmem:$0x1D680] =	vst v63  }
0x74: {  	_ =	swait.ge [sflag:s9], $0x22C8  }
0x75: {  	[sflag:s9] =	ssyncset.done $0x0  }
0x76: {  	[sflag:s9] =	ssyncadd.s32 $0xFFFFDD38  }
0x77: {  	_ =	swait.ge [sflag:s9], $0x448  }
0x78: {  	[sflag:s9] =	ssyncset.done $0x0  }
0x79: {  	[sflag:s9] =	ssyncadd.s32 $0xFFFFFBB8  }
0x7a: {  	_ =	swait.ge [sflag:s9], $0x22C8  }
0x7b: {  	[sflag:s9] =	ssyncset.done $0x0  }
0x7c: {  	[sflag:s9] =	ssyncadd.s32 $0xFFFFDD38  }
0x7d: {  	_ =	swait.ge [sflag:s9], $0x448  }
0x7e: {  	s10 =	sadd.s32 $0x1, s10;
	s11 =	rddreg [dreg:$0xb]  }
0x7f: {  	p0 =	sne.s32 s10, s11  }
.Ltmp1:
0x80: {  	_ = 	snop;
	(pc) =	sbr.rel @p0 .LBB2_1-.Ltmp1, $3  }
0x81: {  	_ =	sdelay $0x1  }
0x82: {  	[sflag:s9] =	ssyncset.done $0x0  }
0x83: {  	[sflag:s9] =	ssyncadd.s32 $0xFFFFFBB8  }
0x84: {  	_ =	sfence.sel $0x180000  }
0x85: {  	[bflag:$0x0] =	sbarrier.arrive $0xFFFF  }
0x86: {  	_ =	strace $0x90000047  }
0x87: {  	s0 =	stileid.u32;
	[bflag:$0x2] =	sbarrier.arrive $0xFFFF  }
0x88: {  	p0 =	sne.s32 s0, $0x0;
	s0 =	rddreg [dreg:$0x4]  }
0x89: {  	s0 =	sadd.s32 @!p0 $0x100000, s0  }
0x8a: {  	[sflag:s0] =	ssyncadd.tile.s32 @!p0 $0x1;
	_ =	shalt  }
.Lfunc_end2:
_tile_overlayer_lowered:
.L_overlay_start_2:
0x8b: {  	(tag) =	ssettag $0x2  }
0x8c: {  	s0 =	rddreg [dreg:$0x0];
	s2 =	stileid.u32  }
0x8d: {  	s1 =	rddreg [dreg:$0x1];
	p0 =	sne.s32 s2, $0x0  }
0x8e: {  	s3 =	rddreg [dreg:$0x2];
	[bflag:$0x3] =	sbarrier.arrive $0xFFFF;
	s2 =	simm.s32 @!p0 $0x1C05  }
0x8f: {  	[timem:s3], [sflag:s2] =	dma.local @!p0 [hbm:s0], s1  }
0x90: {  	s0 =	simm.s32 @!p0 $0x5  }
0x91: {  	_ =	swait.ge @!p0 [sflag:s0], s1  }
0x92: {  	s1 =	ssub.s32 @!p0 $0x0, s1;
	[sflag:s0] =	ssyncset.done @!p0 $0x0  }
0x93: {  	[sflag:s0] =	ssyncadd.s32 @!p0 s1  }
0x94: {  	[bflag:$0x3] =	sbarrier.arrive $0xFFFF  }
0x95: {  	_ =	shalt  }

</sc_bundles>
